<compile_context>
chip_gen: v7x
topology: tpu7x:2x2x1
jax: 0.10.2.dev20260603
libtpu: 0.0.44.dev20260713+nightly
codegen_flags: <defaults>
</compile_context>

<pallas_src>
import functools

import jax
import jax.numpy as jnp
from jax import lax
from jax.experimental import pallas as pl
from jax.experimental.pallas import tpu as pltpu
from jax.experimental.pallas import tpu_sc as plsc

DIM_ = 128
NPOS_ = 100000
HALF_PI = 1.5707963267948966

TR_ = 2000
NC_, NS_ = 2, 16
NW_ = NC_ * NS_
N0_ = 16384
N1_ = 50
B_ = N0_ * N1_
BPW_ = B_ // NW_
CH_ = 400
NCH_ = BPW_ // CH_


_S3, _S5, _S7 = -1.6666654611e-1, 8.3321608736e-3, -1.9515295891e-4
_C2, _C4, _C6 = -0.5, 4.166664568298827e-2, -1.388731625493765e-3
_TWO_OVER_PI = 0.6366197723675814


def _fast_sin(y):
    qf = jnp.floor(y * _TWO_OVER_PI + 0.5)
    r = y - qf * HALF_PI
    qi = qf.astype(jnp.int32)
    u = r * r
    sp = r + r * (u * ((_S7 * u + _S5) * u + _S3))
    cp = 1.0 + u * ((_C6 * u + _C4) * u + _C2)
    res = jnp.where((qi & 1) == 1, cp, sp)
    return jnp.where((qi & 2) == 2, -res, res)


def _table_kernel(out_ref):
    pid = pl.program_id(0)
    row = lax.broadcasted_iota(jnp.int32, (TR_, 1), 0) + pid * TR_
    b = jnp.maximum(row, 1).astype(jnp.float32) * (1.0 / 10000.0)
    logb = jnp.log(b)

    lane = lax.broadcasted_iota(jnp.int32, (1, DIM_), 1)
    e = (lane // 2).astype(jnp.float32) * (1.0 / DIM_)
    phase = jnp.where(lane % 2 == 1, HALF_PI, 0.0)

    ang = jnp.exp(logb * e)
    out_ref[:] = _fast_sin(ang + phase)

    @pl.when(pid == 0)
    def _():
        row0 = jnp.where(lane == 0, 0.8414709848078965,
                         jnp.where(lane == 1, 0.5403023058681398,
                                   phase / HALF_PI))
        out_ref[pl.ds(0, 1), :] = row0


def _build_table():
    return pl.pallas_call(
        _table_kernel,
        grid=(NPOS_ // TR_,),
        out_specs=pl.BlockSpec((TR_, DIM_), lambda i: (i, 0)),
        out_shape=jax.ShapeDtypeStruct((NPOS_, DIM_), jnp.float32),
        compiler_params=pltpu.CompilerParams(
            dimension_semantics=("parallel",),
        ),
    )()


@functools.partial(
    pl.kernel,
    out_type=jax.ShapeDtypeStruct((B_, DIM_), jnp.float32),
    mesh=plsc.VectorSubcoreMesh(
        core_axis_name="c", subcore_axis_name="s",
        num_cores=NC_, num_subcores=NS_,
    ),
    scratch_types=[
        pltpu.VMEM((CH_,), jnp.int32),
        pltpu.VMEM((CH_,), jnp.int32),
        pltpu.VMEM((CH_, DIM_), jnp.float32),
        pltpu.VMEM((CH_, DIM_), jnp.float32),
        pltpu.SemaphoreType.DMA,
        pltpu.SemaphoreType.DMA,
        pltpu.SemaphoreType.DMA,
        pltpu.SemaphoreType.DMA,
        pltpu.SemaphoreType.DMA,
        pltpu.SemaphoreType.DMA,
    ],
    compiler_params=pltpu.CompilerParams(use_tc_tiling_on_sc=True),
)
def _sc_gather(table_hbm, idx_hbm, out_hbm,
               idx_v0, idx_v1, rows_v0, rows_v1,
               isem0, isem1, gsem0, gsem1, wsem0, wsem1):
    wid = lax.axis_index("s") * NC_ + lax.axis_index("c")
    base = wid * BPW_
    idx_bufs = (idx_v0, idx_v1)
    row_bufs = (rows_v0, rows_v1)
    isems = (isem0, isem1)
    gsems = (gsem0, gsem1)
    wsems = (wsem0, wsem1)

    def start_idx(c, b):
        off = base + c * CH_
        pltpu.async_copy(idx_hbm.at[pl.ds(off, CH_)], idx_bufs[b], isems[b])

    def wait_idx(c, b):
        off = base + c * CH_
        pltpu.make_async_copy(idx_hbm.at[pl.ds(off, CH_)], idx_bufs[b],
                              isems[b]).wait()

    def start_gather(b):
        pltpu.async_copy(table_hbm.at[idx_bufs[b]], row_bufs[b], gsems[b])

    start_idx(0, 0)
    start_idx(1, 1)
    wait_idx(0, 0)
    start_gather(0)
    wait_idx(1, 1)
    start_gather(1)

    def body(it, carry):
        for b in range(2):
            c = 2 * it + b
            off = base + c * CH_
            pltpu.make_async_copy(
                table_hbm.at[idx_bufs[b]], row_bufs[b], gsems[b]).wait()
            pltpu.async_copy(row_bufs[b], out_hbm.at[pl.ds(off, CH_)],
                             wsems[b])

            @pl.when(c + 2 < NCH_)
            def _():
                start_idx(c + 2, b)

            pltpu.make_async_copy(row_bufs[b], out_hbm.at[pl.ds(off, CH_)],
                                  wsems[b]).wait()

            @pl.when(c + 2 < NCH_)
            def _():
                wait_idx(c + 2, b)
                start_gather(b)
        return carry

    lax.fori_loop(0, NCH_ // 2, body, 0)


@jax.jit
def kernel(t):
    table = _build_table()
    idx = t.T.reshape(B_).astype(jnp.int32)
    out = _sc_gather(table, idx)
    return out.reshape(N1_, N0_, DIM_).transpose(1, 0, 2)

# --- scband reference (transcript-rebuilt; emitter-appended) ---
"""Pipeline reference for scband-positional-embeddings-1812476199634 (READ-ONLY COPY).

The authoritative reference and input builder live on the scoring server;
editing this copy changes nothing except your own understanding.
"""

import jax, jax.numpy as jnp
import numpy as np

DIM = 128
NUM_POS = 100000

def setup_inputs(seed: int = 0) -> dict:
    key = jax.random.key(seed)
    t = jax.random.randint(key, (16384, 50), 0, NUM_POS, dtype=jnp.int64 if jax.config.jax_enable_x64 else jnp.int32)
    return {"t": t}

def reference(t) -> jnp.ndarray:
    half_dim = DIM // 2
    b = (jnp.arange(NUM_POS, dtype=jnp.float32) / 10000.0)[:, None]
    e = (jnp.arange(half_dim, dtype=jnp.float32) / DIM)[None, :]
    embeddings = b ** e
    embeddings = jnp.stack((jnp.sin(embeddings), jnp.cos(embeddings)), axis=-1)
    embeddings = embeddings.reshape(NUM_POS, DIM)
    out = jnp.take(embeddings, t, axis=0)
    return out

if __name__ == "__main__":
    import jax
    _d = setup_inputs()
    print(jax.jit(kernel)(*tuple(_d.values())))

</pallas_src>

<mosaic_0001>
#map = affine_map<(d0, d1) -> (0, 0)>
#map1 = affine_map<(d0, d1) -> (0)>
module attributes {stable_mosaic.version = 14 : i64} {
  func.func @_sc_gather(%arg0: i32, %arg1: i32, %arg2: memref<100000x128xf32, #tpu.memory_space<hbm>>, %arg3: memref<819200xi32, #tpu.memory_space<hbm>>, %arg4: memref<819200x128xf32, #tpu.memory_space<hbm>>, %arg5: memref<400xi32, #tpu.memory_space<vmem>>, %arg6: memref<400xi32, #tpu.memory_space<vmem>>, %arg7: memref<400x128xf32, #tpu.memory_space<vmem>>, %arg8: memref<400x128xf32, #tpu.memory_space<vmem>>, %arg9: memref<!tpu.dma_semaphore, #tpu.memory_space<semaphore_mem>>, %arg10: memref<!tpu.dma_semaphore, #tpu.memory_space<semaphore_mem>>, %arg11: memref<!tpu.dma_semaphore, #tpu.memory_space<semaphore_mem>>, %arg12: memref<!tpu.dma_semaphore, #tpu.memory_space<semaphore_mem>>, %arg13: memref<!tpu.dma_semaphore, #tpu.memory_space<semaphore_mem>>, %arg14: memref<!tpu.dma_semaphore, #tpu.memory_space<semaphore_mem>>) attributes {dimension_semantics = [#tpu.dimension_semantics<core_parallel>, #tpu.dimension_semantics<subcore_parallel>], iteration_bounds = array<i64: 2, 16>, scalar_prefetch = 0 : i64, scratch_operands = 10 : i64, tpu.core_type = #tpu.core_type<sc_vector_subcore>, window_params = [{transform_indices = #map}, {transform_indices = #map1}, {transform_indices = #map}]} {
    %mul3A = arith.constant 2 : i32
    %mul3A_0 = arith.muli %arg1, %mul3A : i32
    %add3A = arith.addi %mul3A_0, %arg0 : i32
    %mul3A_1 = arith.constant 25600 : i32
    %mul3A_2 = arith.muli %add3A, %mul3A_1 : i32
    %add3A_3 = arith.constant 0 : i32
    %add3A_4 = arith.addi %mul3A_2, %add3A_3 : i32
    %dma_start3A = tpu.memref_slice %arg3[%add3A_4] : memref<819200xi32, #tpu.memory_space<hbm>> -> memref<400xi32, #tpu.memory_space<hbm>>
    %dma_start3A_5 = tpu.memref_slice %arg3[%add3A_4] : memref<819200xi32, #tpu.memory_space<hbm>> -> memref<400xi32, #tpu.memory_space<hbm>>
    tpu.enqueue_dma source(%dma_start3A_5 : memref<400xi32, #tpu.memory_space<hbm>>) target(%arg5 : memref<400xi32, #tpu.memory_space<vmem>>) target_semaphore(%arg9 : memref<!tpu.dma_semaphore, #tpu.memory_space<semaphore_mem>>)
    %add3A_6 = arith.constant 400 : i32
    %add3A_7 = arith.addi %mul3A_2, %add3A_6 : i32
    %dma_start3A_8 = tpu.memref_slice %arg3[%add3A_7] : memref<819200xi32, #tpu.memory_space<hbm>> -> memref<400xi32, #tpu.memory_space<hbm>>
    %dma_start3A_9 = tpu.memref_slice %arg3[%add3A_7] : memref<819200xi32, #tpu.memory_space<hbm>> -> memref<400xi32, #tpu.memory_space<hbm>>
    tpu.enqueue_dma source(%dma_start3A_9 : memref<400xi32, #tpu.memory_space<hbm>>) target(%arg6 : memref<400xi32, #tpu.memory_space<vmem>>) target_semaphore(%arg10 : memref<!tpu.dma_semaphore, #tpu.memory_space<semaphore_mem>>)
    %add3A_10 = arith.constant 0 : i32
    %add3A_11 = arith.addi %mul3A_2, %add3A_10 : i32
    %dma_wait3A = tpu.memref_slice %arg3[%add3A_11] : memref<819200xi32, #tpu.memory_space<hbm>> -> memref<400xi32, #tpu.memory_space<hbm>>
    %dma_wait3A_12 = tpu.memref_slice %arg3[%add3A_11] : memref<819200xi32, #tpu.memory_space<hbm>> -> memref<400xi32, #tpu.memory_space<hbm>>
    tpu.wait_dma2 semaphore(%arg9 : memref<!tpu.dma_semaphore, #tpu.memory_space<semaphore_mem>>) src(%dma_wait3A_12 : memref<400xi32, #tpu.memory_space<hbm>>) dst(%arg5 : memref<400xi32, #tpu.memory_space<vmem>>)
    %dma_start3A_13 = arith.constant 0 : i32
    %dma_start3A_14 = arith.constant 0 : i32
    %dma_start3A_15 = tpu.memref_slice %arg2[%dma_start3A_13, %dma_start3A_14] : memref<100000x128xf32, #tpu.memory_space<hbm>> -> memref<100000x128xf32, #tpu.memory_space<hbm>>
    tpu.enqueue_indirect_dma source(%dma_start3A_15 : memref<100000x128xf32, #tpu.memory_space<hbm>>) target(%arg7 : memref<400x128xf32, #tpu.memory_space<vmem>>) offsets(%arg5 : memref<400xi32, #tpu.memory_space<vmem>>) semaphore(%arg11 : memref<!tpu.dma_semaphore, #tpu.memory_space<semaphore_mem>>)
    %add3A_16 = arith.constant 400 : i32
    %add3A_17 = arith.addi %mul3A_2, %add3A_16 : i32
    %dma_wait3A_18 = tpu.memref_slice %arg3[%add3A_17] : memref<819200xi32, #tpu.memory_space<hbm>> -> memref<400xi32, #tpu.memory_space<hbm>>
    %dma_wait3A_19 = tpu.memref_slice %arg3[%add3A_17] : memref<819200xi32, #tpu.memory_space<hbm>> -> memref<400xi32, #tpu.memory_space<hbm>>
    tpu.wait_dma2 semaphore(%arg10 : memref<!tpu.dma_semaphore, #tpu.memory_space<semaphore_mem>>) src(%dma_wait3A_19 : memref<400xi32, #tpu.memory_space<hbm>>) dst(%arg6 : memref<400xi32, #tpu.memory_space<vmem>>)
    %dma_start3A_20 = arith.constant 0 : i32
    %dma_start3A_21 = arith.constant 0 : i32
    %dma_start3A_22 = tpu.memref_slice %arg2[%dma_start3A_20, %dma_start3A_21] : memref<100000x128xf32, #tpu.memory_space<hbm>> -> memref<100000x128xf32, #tpu.memory_space<hbm>>
    tpu.enqueue_indirect_dma source(%dma_start3A_22 : memref<100000x128xf32, #tpu.memory_space<hbm>>) target(%arg8 : memref<400x128xf32, #tpu.memory_space<vmem>>) offsets(%arg6 : memref<400xi32, #tpu.memory_space<vmem>>) semaphore(%arg12 : memref<!tpu.dma_semaphore, #tpu.memory_space<semaphore_mem>>)
    %scan3A = arith.constant 0 : i32
    %scan3A_23 = arith.constant 0 : i32
    %scan3A_24 = arith.constant 32 : i32
    %scan3A_25 = arith.addi %scan3A_23, %scan3A_24 : i32
    %scan3A_26 = arith.constant 1 : i32
    scf.for %scan3A_28 = %scan3A_23 to %scan3A_25 step %scan3A_26  : i32 {
      %mul3A_29 = arith.constant 2 : i32
      %mul3A_30 = arith.muli %mul3A_29, %scan3A_28 : i32
      %add3A_31 = arith.constant 0 : i32
      %add3A_32 = arith.addi %mul3A_30, %add3A_31 : i32
      %mul3A_33 = arith.constant 400 : i32
      %mul3A_34 = arith.muli %add3A_32, %mul3A_33 : i32
      %add3A_35 = arith.addi %mul3A_2, %mul3A_34 : i32
      %dma_wait3A_36 = arith.constant 0 : i32
      %dma_wait3A_37 = arith.constant 0 : i32
      %dma_wait3A_38 = tpu.memref_slice %arg2[%dma_wait3A_36, %dma_wait3A_37] : memref<100000x128xf32, #tpu.memory_space<hbm>> -> memref<100000x128xf32, #tpu.memory_space<hbm>>
      tpu.wait_indirect_dma semaphore(%arg11 : memref<!tpu.dma_semaphore, #tpu.memory_space<semaphore_mem>>) src(%dma_wait3A_38 : memref<100000x128xf32, #tpu.memory_space<hbm>>) dst(%arg7 : memref<400x128xf32, #tpu.memory_space<vmem>>)
      %dma_start3A_39 = arith.constant 0 : i32
      %dma_start3A_40 = tpu.memref_slice %arg4[%add3A_35, %dma_start3A_39] : memref<819200x128xf32, #tpu.memory_space<hbm>> -> memref<400x128xf32, #tpu.memory_space<hbm>>
      %dma_start3A_41 = arith.constant 0 : i32
      %dma_start3A_42 = tpu.memref_slice %arg4[%add3A_35, %dma_start3A_41] : memref<819200x128xf32, #tpu.memory_space<hbm>> -> memref<400x128xf32, #tpu.memory_space<hbm>>
      tpu.enqueue_dma source(%arg7 : memref<400x128xf32, #tpu.memory_space<vmem>>) target(%dma_start3A_42 : memref<400x128xf32, #tpu.memory_space<hbm>>) target_semaphore(%arg13 : memref<!tpu.dma_semaphore, #tpu.memory_space<semaphore_mem>>)
      %add3A_43 = arith.constant 2 : i32
      %add3A_44 = arith.addi %add3A_32, %add3A_43 : i32
      %lt3A = arith.constant 64 : i32
      %lt3A_45 = arith.cmpi slt, %add3A_44, %lt3A : i32
      %convert_element_type3A = arith.extui %lt3A_45 : i1 to i32
      %cond3A = arith.constant 0 : i32
      %cond3A_46 = arith.cmpi ne, %convert_element_type3A, %cond3A : i32
      scf.if %cond3A_46 {
        %add3A_90 = arith.constant 2 : i32
        %add3A_91 = arith.addi %add3A_32, %add3A_90 : i32
        %mul3A_92 = arith.constant 400 : i32
        %mul3A_93 = arith.muli %add3A_91, %mul3A_92 : i32
        %add3A_94 = arith.addi %mul3A_2, %mul3A_93 : i32
        %dma_start3A_95 = tpu.memref_slice %arg3[%add3A_94] : memref<819200xi32, #tpu.memory_space<hbm>> -> memref<400xi32, #tpu.memory_space<hbm>>
        %dma_start3A_96 = tpu.memref_slice %arg3[%add3A_94] : memref<819200xi32, #tpu.memory_space<hbm>> -> memref<400xi32, #tpu.memory_space<hbm>>
        tpu.enqueue_dma source(%dma_start3A_96 : memref<400xi32, #tpu.memory_space<hbm>>) target(%arg5 : memref<400xi32, #tpu.memory_space<vmem>>) target_semaphore(%arg9 : memref<!tpu.dma_semaphore, #tpu.memory_space<semaphore_mem>>)
      } else {
      }
      %dma_wait3A_47 = arith.constant 0 : i32
      %dma_wait3A_48 = tpu.memref_slice %arg4[%add3A_35, %dma_wait3A_47] : memref<819200x128xf32, #tpu.memory_space<hbm>> -> memref<400x128xf32, #tpu.memory_space<hbm>>
      %dma_wait3A_49 = arith.constant 0 : i32
      %dma_wait3A_50 = tpu.memref_slice %arg4[%add3A_35, %dma_wait3A_49] : memref<819200x128xf32, #tpu.memory_space<hbm>> -> memref<400x128xf32, #tpu.memory_space<hbm>>
      tpu.wait_dma2 semaphore(%arg13 : memref<!tpu.dma_semaphore, #tpu.memory_space<semaphore_mem>>) src(%arg7 : memref<400x128xf32, #tpu.memory_space<vmem>>) dst(%dma_wait3A_50 : memref<400x128xf32, #tpu.memory_space<hbm>>)
      %add3A_51 = arith.constant 2 : i32
      %add3A_52 = arith.addi %add3A_32, %add3A_51 : i32
      %lt3A_53 = arith.constant 64 : i32
      %lt3A_54 = arith.cmpi slt, %add3A_52, %lt3A_53 : i32
      %convert_element_type3A_55 = arith.extui %lt3A_54 : i1 to i32
      %cond3A_56 = arith.constant 0 : i32
      %cond3A_57 = arith.cmpi ne, %convert_element_type3A_55, %cond3A_56 : i32
      scf.if %cond3A_57 {
        %add3A_90 = arith.constant 2 : i32
        %add3A_91 = arith.addi %add3A_32, %add3A_90 : i32
        %mul3A_92 = arith.constant 400 : i32
        %mul3A_93 = arith.muli %add3A_91, %mul3A_92 : i32
        %add3A_94 = arith.addi %mul3A_2, %mul3A_93 : i32
        %dma_wait3A_95 = tpu.memref_slice %arg3[%add3A_94] : memref<819200xi32, #tpu.memory_space<hbm>> -> memref<400xi32, #tpu.memory_space<hbm>>
        %dma_wait3A_96 = tpu.memref_slice %arg3[%add3A_94] : memref<819200xi32, #tpu.memory_space<hbm>> -> memref<400xi32, #tpu.memory_space<hbm>>
        tpu.wait_dma2 semaphore(%arg9 : memref<!tpu.dma_semaphore, #tpu.memory_space<semaphore_mem>>) src(%dma_wait3A_96 : memref<400xi32, #tpu.memory_space<hbm>>) dst(%arg5 : memref<400xi32, #tpu.memory_space<vmem>>)
        %dma_start3A_97 = arith.constant 0 : i32
        %dma_start3A_98 = arith.constant 0 : i32
        %dma_start3A_99 = tpu.memref_slice %arg2[%dma_start3A_97, %dma_start3A_98] : memref<100000x128xf32, #tpu.memory_space<hbm>> -> memref<100000x128xf32, #tpu.memory_space<hbm>>
        tpu.enqueue_indirect_dma source(%dma_start3A_99 : memref<100000x128xf32, #tpu.memory_space<hbm>>) target(%arg7 : memref<400x128xf32, #tpu.memory_space<vmem>>) offsets(%arg5 : memref<400xi32, #tpu.memory_space<vmem>>) semaphore(%arg11 : memref<!tpu.dma_semaphore, #tpu.memory_space<semaphore_mem>>)
      } else {
      }
      %mul3A_58 = arith.constant 2 : i32
      %mul3A_59 = arith.muli %mul3A_58, %scan3A_28 : i32
      %add3A_60 = arith.constant 1 : i32
      %add3A_61 = arith.addi %mul3A_59, %add3A_60 : i32
      %mul3A_62 = arith.constant 400 : i32
      %mul3A_63 = arith.muli %add3A_61, %mul3A_62 : i32
      %add3A_64 = arith.addi %mul3A_2, %mul3A_63 : i32
      %dma_wait3A_65 = arith.constant 0 : i32
      %dma_wait3A_66 = arith.constant 0 : i32
      %dma_wait3A_67 = tpu.memref_slice %arg2[%dma_wait3A_65, %dma_wait3A_66] : memref<100000x128xf32, #tpu.memory_space<hbm>> -> memref<100000x128xf32, #tpu.memory_space<hbm>>
      tpu.wait_indirect_dma semaphore(%arg12 : memref<!tpu.dma_semaphore, #tpu.memory_space<semaphore_mem>>) src(%dma_wait3A_67 : memref<100000x128xf32, #tpu.memory_space<hbm>>) dst(%arg8 : memref<400x128xf32, #tpu.memory_space<vmem>>)
      %dma_start3A_68 = arith.constant 0 : i32
      %dma_start3A_69 = tpu.memref_slice %arg4[%add3A_64, %dma_start3A_68] : memref<819200x128xf32, #tpu.memory_space<hbm>> -> memref<400x128xf32, #tpu.memory_space<hbm>>
      %dma_start3A_70 = arith.constant 0 : i32
      %dma_start3A_71 = tpu.memref_slice %arg4[%add3A_64, %dma_start3A_70] : memref<819200x128xf32, #tpu.memory_space<hbm>> -> memref<400x128xf32, #tpu.memory_space<hbm>>
      tpu.enqueue_dma source(%arg8 : memref<400x128xf32, #tpu.memory_space<vmem>>) target(%dma_start3A_71 : memref<400x128xf32, #tpu.memory_space<hbm>>) target_semaphore(%arg14 : memref<!tpu.dma_semaphore, #tpu.memory_space<semaphore_mem>>)
      %add3A_72 = arith.constant 2 : i32
      %add3A_73 = arith.addi %add3A_61, %add3A_72 : i32
      %lt3A_74 = arith.constant 64 : i32
      %lt3A_75 = arith.cmpi slt, %add3A_73, %lt3A_74 : i32
      %convert_element_type3A_76 = arith.extui %lt3A_75 : i1 to i32
      %cond3A_77 = arith.constant 0 : i32
      %cond3A_78 = arith.cmpi ne, %convert_element_type3A_76, %cond3A_77 : i32
      scf.if %cond3A_78 {
        %add3A_90 = arith.constant 2 : i32
        %add3A_91 = arith.addi %add3A_61, %add3A_90 : i32
        %mul3A_92 = arith.constant 400 : i32
        %mul3A_93 = arith.muli %add3A_91, %mul3A_92 : i32
        %add3A_94 = arith.addi %mul3A_2, %mul3A_93 : i32
        %dma_start3A_95 = tpu.memref_slice %arg3[%add3A_94] : memref<819200xi32, #tpu.memory_space<hbm>> -> memref<400xi32, #tpu.memory_space<hbm>>
        %dma_start3A_96 = tpu.memref_slice %arg3[%add3A_94] : memref<819200xi32, #tpu.memory_space<hbm>> -> memref<400xi32, #tpu.memory_space<hbm>>
        tpu.enqueue_dma source(%dma_start3A_96 : memref<400xi32, #tpu.memory_space<hbm>>) target(%arg6 : memref<400xi32, #tpu.memory_space<vmem>>) target_semaphore(%arg10 : memref<!tpu.dma_semaphore, #tpu.memory_space<semaphore_mem>>)
      } else {
      }
      %dma_wait3A_79 = arith.constant 0 : i32
      %dma_wait3A_80 = tpu.memref_slice %arg4[%add3A_64, %dma_wait3A_79] : memref<819200x128xf32, #tpu.memory_space<hbm>> -> memref<400x128xf32, #tpu.memory_space<hbm>>
      %dma_wait3A_81 = arith.constant 0 : i32
      %dma_wait3A_82 = tpu.memref_slice %arg4[%add3A_64, %dma_wait3A_81] : memref<819200x128xf32, #tpu.memory_space<hbm>> -> memref<400x128xf32, #tpu.memory_space<hbm>>
      tpu.wait_dma2 semaphore(%arg14 : memref<!tpu.dma_semaphore, #tpu.memory_space<semaphore_mem>>) src(%arg8 : memref<400x128xf32, #tpu.memory_space<vmem>>) dst(%dma_wait3A_82 : memref<400x128xf32, #tpu.memory_space<hbm>>)
      %add3A_83 = arith.constant 2 : i32
      %add3A_84 = arith.addi %add3A_61, %add3A_83 : i32
      %lt3A_85 = arith.constant 64 : i32
      %lt3A_86 = arith.cmpi slt, %add3A_84, %lt3A_85 : i32
      %convert_element_type3A_87 = arith.extui %lt3A_86 : i1 to i32
      %cond3A_88 = arith.constant 0 : i32
      %cond3A_89 = arith.cmpi ne, %convert_element_type3A_87, %cond3A_88 : i32
      scf.if %cond3A_89 {
        %add3A_90 = arith.constant 2 : i32
        %add3A_91 = arith.addi %add3A_61, %add3A_90 : i32
        %mul3A_92 = arith.constant 400 : i32
        %mul3A_93 = arith.muli %add3A_91, %mul3A_92 : i32
        %add3A_94 = arith.addi %mul3A_2, %mul3A_93 : i32
        %dma_wait3A_95 = tpu.memref_slice %arg3[%add3A_94] : memref<819200xi32, #tpu.memory_space<hbm>> -> memref<400xi32, #tpu.memory_space<hbm>>
        %dma_wait3A_96 = tpu.memref_slice %arg3[%add3A_94] : memref<819200xi32, #tpu.memory_space<hbm>> -> memref<400xi32, #tpu.memory_space<hbm>>
        tpu.wait_dma2 semaphore(%arg10 : memref<!tpu.dma_semaphore, #tpu.memory_space<semaphore_mem>>) src(%dma_wait3A_96 : memref<400xi32, #tpu.memory_space<hbm>>) dst(%arg6 : memref<400xi32, #tpu.memory_space<vmem>>)
        %dma_start3A_97 = arith.constant 0 : i32
        %dma_start3A_98 = arith.constant 0 : i32
        %dma_start3A_99 = tpu.memref_slice %arg2[%dma_start3A_97, %dma_start3A_98] : memref<100000x128xf32, #tpu.memory_space<hbm>> -> memref<100000x128xf32, #tpu.memory_space<hbm>>
        tpu.enqueue_indirect_dma source(%dma_start3A_99 : memref<100000x128xf32, #tpu.memory_space<hbm>>) target(%arg8 : memref<400x128xf32, #tpu.memory_space<vmem>>) offsets(%arg6 : memref<400xi32, #tpu.memory_space<vmem>>) semaphore(%arg12 : memref<!tpu.dma_semaphore, #tpu.memory_space<semaphore_mem>>)
      } else {
      }
    }
    %scan3A_27 = arith.constant 32 : i32
    return
  }
}

module attributes {stable_mosaic.version = 14 : i64} {
  func.func @_table_kernel(%arg0: i32, %arg1: memref<2000x128xf32, #tpu.memory_space<vmem>>) attributes {dimension_semantics = [#tpu.dimension_semantics<parallel>], iteration_bounds = array<i64: 50>, scalar_prefetch = 0 : i64, scratch_operands = 0 : i64, tpu.core_type = #tpu.core_type<tc>, window_params = [{transform_indices = @transform_0, window_bounds = array<i64: 2000, 128>}]} {
    %iota3A = tpu.iota {dimensions = array<i32: 0>} : vector<2000x1xi32>
    %mul3A = arith.constant 2000 : i32
    %mul3A_0 = arith.muli %arg0, %mul3A : i32
    %add3A = vector.broadcast %mul3A_0 : i32 to vector<2000x1xi32>
    %add3A_1 = arith.addi %iota3A, %add3A : vector<2000x1xi32>
    %max3A = arith.constant 1 : i32
    %max3A_2 = vector.broadcast %max3A : i32 to vector<2000x1xi32>
    %max3A_3 = arith.maxsi %add3A_1, %max3A_2 : vector<2000x1xi32>
    %convert_element_type3A = arith.sitofp %max3A_3 : vector<2000x1xi32> to vector<2000x1xf32>
    %mul3A_4 = arith.constant 9.99999974E-5 : f32
    %mul3A_5 = vector.broadcast %mul3A_4 : f32 to vector<2000x1xf32>
    %mul3A_6 = arith.mulf %convert_element_type3A, %mul3A_5 : vector<2000x1xf32>
    %log3A = math.log %mul3A_6 : vector<2000x1xf32>
    %iota3A_7 = tpu.iota {dimensions = array<i32: 1>} : vector<1x128xi32>
    %jit3A = arith.constant 2 : i32
    %div3A = vector.broadcast %jit3A : i32 to vector<1x128xi32>
    %div3A_8 = arith.divsi %iota3A_7, %div3A : vector<1x128xi32>
    %sign3A = arith.constant 0 : i32
    %sign3A_9 = vector.broadcast %sign3A : i32 to vector<1x128xi32>
    %sign3A_10 = arith.cmpi sgt, %iota3A_7, %sign3A_9 : vector<1x128xi32>
    %sign3A_11 = arith.extui %sign3A_10 : vector<1x128xi1> to vector<1x128xi32>
    %sign3A_12 = arith.constant 0 : i32
    %sign3A_13 = vector.broadcast %sign3A_12 : i32 to vector<1x128xi32>
    %sign3A_14 = arith.cmpi slt, %iota3A_7, %sign3A_13 : vector<1x128xi32>
    %sign3A_15 = arith.extui %sign3A_14 : vector<1x128xi1> to vector<1x128xi32>
    %sign3A_16 = arith.subi %sign3A_11, %sign3A_15 : vector<1x128xi32>
    %sign3A_17 = arith.constant 0 : i32
    %sign3A_18 = arith.cmpi sgt, %jit3A, %sign3A_17 : i32
    %sign3A_19 = arith.extui %sign3A_18 : i1 to i32
    %sign3A_20 = arith.constant 0 : i32
    %sign3A_21 = arith.cmpi slt, %jit3A, %sign3A_20 : i32
    %sign3A_22 = arith.extui %sign3A_21 : i1 to i32
    %sign3A_23 = arith.subi %sign3A_19, %sign3A_22 : i32
    %ne3A = vector.broadcast %sign3A_23 : i32 to vector<1x128xi32>
    %ne3A_24 = arith.cmpi ne, %sign3A_16, %ne3A : vector<1x128xi32>
    %rem3A = vector.broadcast %jit3A : i32 to vector<1x128xi32>
    %rem3A_25 = arith.remsi %iota3A_7, %rem3A : vector<1x128xi32>
    %ne3A_26 = arith.constant 0 : i32
    %ne3A_27 = vector.broadcast %ne3A_26 : i32 to vector<1x128xi32>
    %ne3A_28 = arith.cmpi ne, %rem3A_25, %ne3A_27 : vector<1x128xi32>
    %and3A = arith.andi %ne3A_24, %ne3A_28 : vector<1x128xi1>
    %sub3A = arith.constant 1 : i32
    %sub3A_29 = vector.broadcast %sub3A : i32 to vector<1x128xi32>
    %sub3A_30 = arith.subi %div3A_8, %sub3A_29 : vector<1x128xi32>
    %select_n3A = arith.select %and3A, %sub3A_30, %div3A_8 : vector<1x128xi1>, vector<1x128xi32>
    %convert_element_type3A_31 = arith.sitofp %select_n3A : vector<1x128xi32> to vector<1x128xf32>
    %mul3A_32 = arith.constant 7.812500e-03 : f32
    %mul3A_33 = vector.broadcast %mul3A_32 : f32 to vector<1x128xf32>
    %mul3A_34 = arith.mulf %convert_element_type3A_31, %mul3A_33 : vector<1x128xf32>
    %jit3A_35 = arith.constant 2 : i32
    %eq3A = arith.constant 0 : i32
    %eq3A_36 = arith.cmpi eq, %jit3A_35, %eq3A : i32
    %jit3A_37 = arith.constant 1 : i32
    %select_n3A_38 = arith.select %eq3A_36, %jit3A_37, %jit3A_35 : i32
    %rem3A_39 = vector.broadcast %select_n3A_38 : i32 to vector<1x128xi32>
    %rem3A_40 = arith.remsi %iota3A_7, %rem3A_39 : vector<1x128xi32>
    %ne3A_41 = arith.constant 0 : i32
    %ne3A_42 = vector.broadcast %ne3A_41 : i32 to vector<1x128xi32>
    %ne3A_43 = arith.cmpi ne, %rem3A_40, %ne3A_42 : vector<1x128xi32>
    %lt3A = arith.constant 0 : i32
    %lt3A_44 = vector.broadcast %lt3A : i32 to vector<1x128xi32>
    %lt3A_45 = arith.cmpi slt, %rem3A_40, %lt3A_44 : vector<1x128xi32>
    %lt3A_46 = arith.constant 0 : i32
    %lt3A_47 = arith.cmpi slt, %select_n3A_38, %lt3A_46 : i32
    %ne3A_48 = vector.broadcast %lt3A_47 : i1 to vector<1x128xi1>
    %ne3A_49 = vector.broadcast %ne3A_48 : vector<1x128xi1> to vector<1x128xi1>
    %ne3A_50 = arith.xori %lt3A_45, %ne3A_49 : vector<1x128xi1>
    %and3A_51 = arith.andi %ne3A_50, %ne3A_43 : vector<1x128xi1>
    %add3A_52 = vector.broadcast %select_n3A_38 : i32 to vector<1x128xi32>
    %add3A_53 = arith.addi %rem3A_40, %add3A_52 : vector<1x128xi32>
    %select_n3A_54 = arith.select %and3A_51, %add3A_53, %rem3A_40 : vector<1x128xi1>, vector<1x128xi32>
    %eq3A_55 = arith.constant 1 : i32
    %eq3A_56 = vector.broadcast %eq3A_55 : i32 to vector<1x128xi32>
    %eq3A_57 = arith.cmpi eq, %select_n3A_54, %eq3A_56 : vector<1x128xi32>
    %jit3A_58 = arith.constant 1.57079637 : f32
    %jit3A_59 = arith.constant 0.000000e+00 : f32
    %broadcast_in_dim3A = vector.broadcast %jit3A_58 : f32 to vector<1x128xf32>
    %broadcast_in_dim3A_60 = vector.broadcast %jit3A_59 : f32 to vector<1x128xf32>
    %select_n3A_61 = arith.select %eq3A_57, %broadcast_in_dim3A, %broadcast_in_dim3A_60 : vector<1x128xi1>, vector<1x128xf32>
    %mul3A_62 = vector.broadcast %log3A : vector<2000x1xf32> to vector<2000x128xf32>
    %mul3A_63 = vector.broadcast %mul3A_34 : vector<1x128xf32> to vector<2000x128xf32>
    %mul3A_64 = arith.mulf %mul3A_62, %mul3A_63 : vector<2000x128xf32>
    %exp3A = math.exp %mul3A_64 : vector<2000x128xf32>
    %add3A_65 = vector.broadcast %select_n3A_61 : vector<1x128xf32> to vector<2000x128xf32>
    %add3A_66 = arith.addf %exp3A, %add3A_65 : vector<2000x128xf32>
    %mul3A_67 = arith.constant 0.636619746 : f32
    %mul3A_68 = vector.broadcast %mul3A_67 : f32 to vector<2000x128xf32>
    %mul3A_69 = arith.mulf %add3A_66, %mul3A_68 : vector<2000x128xf32>
    %add3A_70 = arith.constant 5.000000e-01 : f32
    %add3A_71 = vector.broadcast %add3A_70 : f32 to vector<2000x128xf32>
    %add3A_72 = arith.addf %mul3A_69, %add3A_71 : vector<2000x128xf32>
    %floor3A = math.floor %add3A_72 : vector<2000x128xf32>
    %mul3A_73 = arith.constant 1.57079637 : f32
    %mul3A_74 = vector.broadcast %mul3A_73 : f32 to vector<2000x128xf32>
    %mul3A_75 = arith.mulf %floor3A, %mul3A_74 : vector<2000x128xf32>
    %sub3A_76 = arith.subf %add3A_66, %mul3A_75 : vector<2000x128xf32>
    %convert_element_type3A_77 = arith.fptosi %floor3A : vector<2000x128xf32> to vector<2000x128xi32>
    %mul3A_78 = arith.mulf %sub3A_76, %sub3A_76 : vector<2000x128xf32>
    %mul3A_79 = arith.constant -1.95152956E-4 : f32
    %mul3A_80 = vector.broadcast %mul3A_79 : f32 to vector<2000x128xf32>
    %mul3A_81 = arith.mulf %mul3A_80, %mul3A_78 : vector<2000x128xf32>
    %add3A_82 = arith.constant 0.00833216123 : f32
    %add3A_83 = vector.broadcast %add3A_82 : f32 to vector<2000x128xf32>
    %add3A_84 = arith.addf %mul3A_81, %add3A_83 : vector<2000x128xf32>
    %mul3A_85 = arith.mulf %add3A_84, %mul3A_78 : vector<2000x128xf32>
    %add3A_86 = arith.constant -0.166666552 : f32
    %add3A_87 = vector.broadcast %add3A_86 : f32 to vector<2000x128xf32>
    %add3A_88 = arith.addf %mul3A_85, %add3A_87 : vector<2000x128xf32>
    %mul3A_89 = arith.mulf %mul3A_78, %add3A_88 : vector<2000x128xf32>
    %mul3A_90 = arith.mulf %sub3A_76, %mul3A_89 : vector<2000x128xf32>
    %add3A_91 = arith.addf %sub3A_76, %mul3A_90 : vector<2000x128xf32>
    %mul3A_92 = arith.constant -0.00138873165 : f32
    %mul3A_93 = vector.broadcast %mul3A_92 : f32 to vector<2000x128xf32>
    %mul3A_94 = arith.mulf %mul3A_93, %mul3A_78 : vector<2000x128xf32>
    %add3A_95 = arith.constant 0.0416666456 : f32
    %add3A_96 = vector.broadcast %add3A_95 : f32 to vector<2000x128xf32>
    %add3A_97 = arith.addf %mul3A_94, %add3A_96 : vector<2000x128xf32>
    %mul3A_98 = arith.mulf %add3A_97, %mul3A_78 : vector<2000x128xf32>
    %add3A_99 = arith.constant -5.000000e-01 : f32
    %add3A_100 = vector.broadcast %add3A_99 : f32 to vector<2000x128xf32>
    %add3A_101 = arith.addf %mul3A_98, %add3A_100 : vector<2000x128xf32>
    %mul3A_102 = arith.mulf %mul3A_78, %add3A_101 : vector<2000x128xf32>
    %add3A_103 = arith.constant 1.000000e+00 : f32
    %add3A_104 = vector.broadcast %add3A_103 : f32 to vector<2000x128xf32>
    %add3A_105 = arith.addf %add3A_104, %mul3A_102 : vector<2000x128xf32>
    %and3A_106 = arith.constant 1 : i32
    %and3A_107 = vector.broadcast %and3A_106 : i32 to vector<2000x128xi32>
    %and3A_108 = arith.andi %convert_element_type3A_77, %and3A_107 : vector<2000x128xi32>
    %eq3A_109 = arith.constant 1 : i32
    %eq3A_110 = vector.broadcast %eq3A_109 : i32 to vector<2000x128xi32>
    %eq3A_111 = arith.cmpi eq, %and3A_108, %eq3A_110 : vector<2000x128xi32>
    %select_n3A_112 = arith.select %eq3A_111, %add3A_105, %add3A_91 : vector<2000x128xi1>, vector<2000x128xf32>
    %and3A_113 = arith.constant 2 : i32
    %and3A_114 = vector.broadcast %and3A_113 : i32 to vector<2000x128xi32>
    %and3A_115 = arith.andi %convert_element_type3A_77, %and3A_114 : vector<2000x128xi32>
    %eq3A_116 = arith.constant 2 : i32
    %eq3A_117 = vector.broadcast %eq3A_116 : i32 to vector<2000x128xi32>
    %eq3A_118 = arith.cmpi eq, %and3A_115, %eq3A_117 : vector<2000x128xi32>
    %neg3A = arith.constant 0.000000e+00 : f32
    %neg3A_119 = vector.broadcast %neg3A : f32 to vector<2000x128xf32>
    %neg3A_120 = arith.subf %neg3A_119, %select_n3A_112 : vector<2000x128xf32>
    %select_n3A_121 = arith.select %eq3A_118, %neg3A_120, %select_n3A_112 : vector<2000x128xi1>, vector<2000x128xf32>
    %swap3A = arith.constant 0 : index
    %swap3A_122 = arith.constant 0 : index
    %swap3A_123 = vector.load %arg1[%swap3A, %swap3A_122] : memref<2000x128xf32, #tpu.memory_space<vmem>>, vector<2000x128xf32>
    tpu.vector_store %arg1[%swap3A, %swap3A_122], %select_n3A_121 {strides = array<i32>} : memref<2000x128xf32, #tpu.memory_space<vmem>>, vector<2000x128xf32>,
    %eq3A_124 = arith.constant 0 : i32
    %eq3A_125 = arith.cmpi eq, %arg0, %eq3A_124 : i32
    %convert_element_type3A_126 = arith.extui %eq3A_125 : i1 to i32
    %cond3A = arith.constant 0 : i32
    %cond3A_127 = arith.cmpi ne, %convert_element_type3A_126, %cond3A : i32
    scf.if %cond3A_127 {
      %eq3A_128 = arith.constant 0 : i32
      %eq3A_129 = vector.broadcast %eq3A_128 : i32 to vector<1x128xi32>
      %eq3A_130 = arith.cmpi eq, %iota3A_7, %eq3A_129 : vector<1x128xi32>
      %eq3A_131 = arith.constant 1 : i32
      %eq3A_132 = vector.broadcast %eq3A_131 : i32 to vector<1x128xi32>
      %eq3A_133 = arith.cmpi eq, %iota3A_7, %eq3A_132 : vector<1x128xi32>
      %div3A_134 = arith.constant 1.57079637 : f32
      %div3A_135 = vector.broadcast %div3A_134 : f32 to vector<1x128xf32>
      %div3A_136 = arith.divf %select_n3A_61, %div3A_135 : vector<1x128xf32>
      %jit3A_137 = arith.constant 0.540302277 : f32
      %broadcast_in_dim3A_138 = vector.broadcast %jit3A_137 : f32 to vector<1x128xf32>
      %select_n3A_139 = arith.select %eq3A_133, %broadcast_in_dim3A_138, %div3A_136 : vector<1x128xi1>, vector<1x128xf32>
      %jit3A_140 = arith.constant 0.841470957 : f32
      %broadcast_in_dim3A_141 = vector.broadcast %jit3A_140 : f32 to vector<1x128xf32>
      %select_n3A_142 = arith.select %eq3A_130, %broadcast_in_dim3A_141, %select_n3A_139 : vector<1x128xi1>, vector<1x128xf32>
      %swap3A_143 = arith.constant 0 : index
      %swap3A_144 = arith.constant 0 : index
      %swap3A_145 = vector.load %arg1[%swap3A_143, %swap3A_144] : memref<2000x128xf32, #tpu.memory_space<vmem>>, vector<1x128xf32>
      tpu.vector_store %arg1[%swap3A_143, %swap3A_144], %select_n3A_142 {strides = array<i32>} : memref<2000x128xf32, #tpu.memory_space<vmem>>, vector<1x128xf32>,
    } else {
    }
    return
  }
  func.func @transform_0(%arg0: i32) -> (i32, i32) {
    %c0_i32 = arith.constant 0 : i32
    %c0_i32_0 = arith.constant 0 : i32
    return %arg0, %c0_i32 : i32, i32
  }
}

</mosaic_0001>

<sc_bundles>
// kernel: kernel.4.cloned.1.call-start
scs
__scs_entry_jumppad:
0x0: {  	(pc) =	sbr.rel $0x88, $3  }
0x1: {  	(tag) =	ssettag $0x0;
	lr =	simm.s32 $0x1  }
0x2: {  	[smem:$0x3FA0] =	sst lr;
	_ =	strace $0xD0000000  }
0x3: {  	_ = 	snop  }
0x4: {  	_ = 	snop  }
0x5: {  	_ = 	snop  }
0x6: {  	_ = 	snop  }
0x7: {  	_ = 	snop  }
__scs_overlays_trampoline_lowered:
0x8: {  	[smem:$0x3FAF] =	sst s0  }
0x9: {  	[smem:$0x3FB0] =	sst s1  }
0xa: {  	[smem:$0x3FB1] =	sst s2  }
0xb: {  	[smem:$0x3FB2] =	sst s3  }
0xc: {  	[smem:$0x3FB3] =	sst s4  }
0xd: {  	[smem:$0x3FB4] =	sst s5  }
0xe: {  	[smem:$0x3FB5] =	sst s6  }
0xf: {  	[smem:$0x3FB6] =	sst s7  }
0x10: {  	[smem:$0x3FB7] =	sst s8  }
0x11: {  	[smem:$0x3FB8] =	sst s9;
	s0 =	simm.s32 @!p0 $0x0  }
0x12: {  	s1 =	sld [smem:$0x3F9E];
	s0 =	simm.s32 @p0 $0x1  }
0x13: {  	[smem:$0x3FB9] =	sst s0;
	s0 =	simm.s32 @!p1 $0x0  }
0x14: {  	s2 =	sld [smem:$0x3F9D];
	s0 =	simm.s32 @p1 $0x1  }
0x15: {  	[smem:$0x3FBA] =	sst s0;
	s0 =	simm.s32 @!p2 $0x0  }
0x16: {  	s3 =	sld [smem:$0x3FDB];
	s0 =	simm.s32 @p2 $0x1  }
0x17: {  	s4 =	simm.s32 $0x1BF5;
	[smem:$0x3FBC] =	sst s0  }
0x18: {  	s0 =	sld [smem:$0x3F9F];
	_ =	swait.ge [sflag:s4], $0x0  }
0x19: {  	s7 =	sld [smem:$0x3FA0]  }
0x1a: {  	s8 =	sadd.s32 $0xFFFFE003, lr  }
0x1b: {  	s9 =	sadd.s32 $0xFFFFFEF7, lr;
	s5 =	simm.s32 $0xFFFFFFFF;
	p2 =	slt.u32 s8, $0xFFFFF086  }
0x1c: {  	p1 =	slt.u32 s9, $0xF7A;
	s5 =	simm.s32 @!p2 $0x0  }
0x1d: {  	s5 =	simm.s32 @p1 $0x1;
	p0 =	seq.s32 s7, s2  }
0x1e: {  	s7 =	smul.u32 @!p0 $0xF7A, s2;
	p2 =	seq.s32 @!p0 s5, $0x0  }
0x1f: {  	s9 =	smul.u32 $0xF7A, s1;
	s8 =	simm.s32 @!p0 $0x1BF5;
	p2 =	por !p2, p0  }
0x20: {  	[sflag:s8] =	ssyncset.s32 @!p0 $0xFFFFF086;
	s6 =	sadd.s32 @!p0 s3, s7;
	s7 =	simm.s32 @!p0 $0x108  }
0x21: {  	s3 =	sadd.s32 s3, s9;
	s6 =	sadd.s32 @!p0 $0x88, s6;
	s7 =	simm.s32 @p2 $0x1082  }
0x22: {  	[simem:s7], [sflag:s8] =	dma.local @!p0 [hbm:s6], $0xF7A  }
0x23: {  	s9 =	sor.u32 $0xD0000000, s2;
	s6 =	simm.s32 $0x108;
	_ =	swait.ge @!p0 [sflag:s8], $0x0  }
0x24: {  	s3 =	sadd.s32 $0x88, s3;
	s6 =	simm.s32 @!p1 $0x1082;
	[sflag:s4] =	ssyncset.s32 $0xFFFFF086  }
0x25: {  	[simem:s6], [sflag:s4] =	dma.local [hbm:s3], $0xF7A  }
0x26: {  	[smem:$0x3FA0] =	sst s1;
	(tag) =	ssettag s2;
	_ =	strace s9  }
0x27: {  	s1 =	sld [smem:$0x3FB0]  }
0x28: {  	s2 =	sld [smem:$0x3FB1]  }
0x29: {  	s4 =	sld [smem:$0x3FB3]  }
0x2a: {  	p0 =	seq.s32 s5, $0x0;
	s5 =	sld [smem:$0x3FB4]  }
0x2b: {  	s6 =	sld [smem:$0x3FB5]  }
0x2c: {  	s7 =	sld [smem:$0x3FB6]  }
0x2d: {  	s3 =	simm.s32 $0x108;
	s8 =	sld [smem:$0x3FB7]  }
0x2e: {  	s3 =	simm.s32 @!p0 $0x1082;
	s9 =	sld [smem:$0x3FB8]  }
0x2f: {  	lr =	sadd.s32 s0, s3;
	s0 =	sld [smem:$0x3FAF]  }
0x30: {  	s3 =	sld [smem:$0x3FB2]  }
0x31: {  	[smem:$0x3FBB] =	sst s10  }
0x32: {  	s10 =	sld [smem:$0x3FB9];
	_ =	sdelay $0x3  }
0x33: {  	p0 =	seq.s32 s10, $0x1;
	s10 =	sld [smem:$0x3FBB];
	_ =	sdelay $0x3  }
0x34: {  	[smem:$0x3FBB] =	sst s10  }
0x35: {  	s10 =	sld [smem:$0x3FBA];
	_ =	sdelay $0x3  }
0x36: {  	p1 =	seq.s32 s10, $0x1;
	s10 =	sld [smem:$0x3FBB];
	_ =	sdelay $0x3  }
0x37: {  	[smem:$0x3FBB] =	sst s10  }
0x38: {  	s10 =	sld [smem:$0x3FBC]  }
0x39: {  	_ = 	snop;
	(pc) =	sbr.ind lr, $3  }
0x3a: {  	_ = 	snop  }
0x3b: {  	_ = 	snop  }
0x3c: {  	p2 =	seq.s32 s10, $0x1;
	s10 =	sld [smem:$0x3FBB]  }
0x3d: {  	_ =	shalt  }
0x3e: {  	_ =	shalt  }
0x3f: {  	_ =	shalt  }
0x40: {  	_ =	shalt  }
0x41: {  	_ =	shalt  }
0x42: {  	_ =	shalt  }
0x43: {  	_ =	shalt  }
0x44: {  	_ =	shalt  }
0x45: {  	_ =	shalt  }
0x46: {  	_ =	shalt  }
0x47: {  	_ =	shalt  }
0x48: {  	_ =	shalt  }
0x49: {  	_ =	shalt  }
0x4a: {  	_ =	shalt  }
0x4b: {  	_ =	shalt  }
0x4c: {  	_ =	shalt  }
0x4d: {  	_ =	shalt  }
0x4e: {  	_ =	shalt  }
0x4f: {  	_ =	shalt  }
0x50: {  	_ =	shalt  }
0x51: {  	_ =	shalt  }
0x52: {  	_ =	shalt  }
0x53: {  	_ =	shalt  }
0x54: {  	_ =	shalt  }
0x55: {  	_ =	shalt  }
0x56: {  	_ =	shalt  }
0x57: {  	_ =	shalt  }
0x58: {  	_ =	shalt  }
0x59: {  	_ =	shalt  }
0x5a: {  	_ =	shalt  }
0x5b: {  	_ =	shalt  }
0x5c: {  	_ =	shalt  }
0x5d: {  	_ =	shalt  }
0x5e: {  	_ =	shalt  }
0x5f: {  	_ =	shalt  }
0x60: {  	_ =	shalt  }
0x61: {  	_ =	shalt  }
0x62: {  	_ =	shalt  }
0x63: {  	_ =	shalt  }
0x64: {  	_ =	shalt  }
0x65: {  	_ =	shalt  }
0x66: {  	_ =	shalt  }
0x67: {  	_ =	shalt  }
0x68: {  	_ =	shalt  }
0x69: {  	_ =	shalt  }
0x6a: {  	_ =	shalt  }
0x6b: {  	_ =	shalt  }
0x6c: {  	_ =	shalt  }
0x6d: {  	_ =	shalt  }
0x6e: {  	_ =	shalt  }
0x6f: {  	_ =	shalt  }
0x70: {  	_ =	shalt  }
0x71: {  	_ =	shalt  }
0x72: {  	_ =	shalt  }
0x73: {  	_ =	shalt  }
0x74: {  	_ =	shalt  }
0x75: {  	_ =	shalt  }
0x76: {  	_ =	shalt  }
0x77: {  	_ =	shalt  }
0x78: {  	_ =	shalt  }
0x79: {  	_ =	shalt  }
0x7a: {  	_ =	shalt  }
0x7b: {  	_ =	shalt  }
0x7c: {  	_ =	shalt  }
0x7d: {  	_ =	shalt  }
0x7e: {  	_ =	shalt  }
0x7f: {  	_ =	shalt  }
0x80: {  	_ =	shalt  }
0x81: {  	_ =	shalt  }
0x82: {  	_ =	shalt  }
0x83: {  	_ =	shalt  }
0x84: {  	_ =	shalt  }
0x85: {  	_ =	shalt  }
0x86: {  	_ =	shalt  }
0x87: {  	_ =	shalt  }
.Lfunc_end0:
.L_simem_size_0:
called_computation_lowered:
.L_overlay_start_0:
0x88: {  	s2 =	sld [smem:$0x3FD9]  }
0x89: {  	s3 =	sld [smem:$0x3FFE];
	_ =	sdelay $0x1  }
0x8a: {  	s1 =	srdreg.scid  }
0x8b: {  	s0 =	sand.u32 $0x1, s1  }
0x8c: {  	s17 =	sshll.u32 s0, $0xA;
	s2 =	sadd.s32 s3, s2  }
0x8d: {  	s2 =	sadd.s32 s2, s17  }
0x8e: {  	[smem:$0x3FC7] =	sst s2  }
0x8f: {  	_ = 	snop  }
0x90: {  	s2 =	sld [smem:$0x3FD0];
	(tm) =	ssettm $0x1  }
0x91: {  	s18 =	sld [smem:$0x3FFB];
	_ =	sdelay $0x3  }
0x92: {  	_ =	strace s18  }
0x93: {  	s3 =	sld [smem:$0x3FFC];
	_ =	sdelay $0x3  }
0x94: {  	_ =	strace s3  }
0x95: {  	s3 =	sld [smem:$0x3FFD];
	_ =	sdelay $0x3  }
0x96: {  	_ =	strace s3  }
0x97: {  	_ =	strace $0x8FFFFFFF  }
0x98: {  	s19 =	sld [smem:$0x3FDB];
	_ =	sdelay $0x1  }
0x99: {  	s4 =	simm.s32 $_scs_section_size  }
0x9a: {  	s5 =	simm.s32 $_size__tile_overlayer_lowered;
	s6 =	simm.s32 $_tile_overlayer_lowered  }
0x9b: {  	s22 =	simm.s32 $0x1BFF;
	s21 =	sshll.u32 s6, $0x1;
	s3 =	sadd.s32 s4, s19  }
0x9c: {  	s7 =	simm.s32 $0x0;
	s20 =	sshll.u32 s5, $0x1;
	s5 =	sadd.s32 s21, s3  }
0x9d: {  	[timem:s7], [sflag:s22] =	dma.local [hbm:s5], s20  }
0x9e: {  	_ =	swait.ge [sflag:s22], s20  }
0x9f: {  	s4 =	ssub.s32 $0x0, s20;
	[sflag:s22] =	ssyncset.done $0x0  }
0xa0: {  	[sflag:s22] =	ssyncadd.s32 s4;
	_ =	sdelay $0x1  }
0xa1: {  	s23 =	simm.s32 $0x1B8B  }
0xa2: {  	_ =	swait.ge [sflag:s23], $0x1  }
0xa3: {  	[sflag:s23] =	ssyncset.done $0x0  }
0xa4: {  	s25 =	simm.s32 $0x1B8E;
	s24 =	sld [smem:$0x3FFE];
	[sflag:s23] =	ssyncadd.s32 $0xFFFFFFFF  }
0xa5: {  	s26 =	simm.s32 $execute0_lowered;
	[smem:$0x3FD2] =	sst s25  }
0xa6: {  	s5 =	sshll.u32 s26, $0x1;
	_ =	strace $0x80000046;
	[dreg:$0x1] =	wrdreg $0xFFFFFFFF  }
0xa7: {  	s28 =	simm.s32 $_size_execute0_lowered;
	s3 =	sadd.s32 s3, s5;
	[dreg:$0x0] =	wrdreg $0x0  }
0xa8: {  	s5 =	sshll.u32 s28, $0x1;
	[dreg:$0x2] =	wrdreg s3  }
0xa9: {  	[dreg:$0x3] =	wrdreg s5  }
0xaa: {  	[dreg:$0x4] =	wrdreg $0xC0  }
0xab: {  	_ =	task [dreg:s7], $0x5FFFF  }
0xac: {  	[dreg:$0x1] =	wrdreg $0xFFFFFFFF  }
0xad: {  	[dreg:$0x0] =	wrdreg $0x60  }
0xae: {  	[dreg:$0x2] =	wrdreg s24  }
0xaf: {  	[dreg:$0x3] =	wrdreg s2  }
0xb0: {  	[dreg:$0x4] =	wrdreg $0x9  }
0xb1: {  	_ =	task.clear_ibuf [dreg:s7], $0x5FFFF;
	_ =	strace $0x90000046  }
0xb2: {  	s29 =	simm.s32 $0x9;
	_ =	strace $0x80000048  }
0xb3: {  	_ =	swait.ge [sflag:s29], $0x1  }
0xb4: {  	[sflag:s29] =	ssyncadd.s32 $0xFFFFFFFF  }
0xb5: {  	_ =	strace $0x90000048  }
0xb6: {  	_ =	sfence  }
0xb7: {  	s30 =	sld [smem:$0x0];
	_ =	sdelay $0x2  }
0xb8: {  	s31 =	sshll.u32 s1, $0xD;
	s1 =	sshrl.u32 s1, $0x2  }
0xb9: {  	s3 =	sand.u32 $0x4000, s31;
	s1 =	sadd.s32 s1, s30  }
0xba: {  	s0 =	sor.u32 s3, s0;
	s1 =	sshll.u32 s1, $0x11  }
0xbb: {  	s0 =	sor.u32 s1, s0  }
0xbc: {  	s0 =	sadd.s32 $0x8F2B, s0  }
0xbd: {  	[sflag:s0] =	ssyncadd.remote.s32 $0x1  }
0xbe: {  	_ =	sfence.sel $0xFFFF  }
0xbf: {  	[dreg:$0x0] =	wrdreg $0xFFFFFFFF;
	(pc) =	sbr.abs _section_cstart, $3  }
0xc0: {  	[dreg:$0x1] =	wrdreg $0xFFFFFFFF  }
0xc1: {  	_ =	task.clear_ibuf [dreg:s7], $0x2FFFF;
	_ =	strace $0x9FFFFFFF  }
0xc2: {  	(tm) =	ssettm $0x7FFFFFFF  }
0xc3: {  	_ =	shalt  }
tec
execute0_lowered:
.L_overlay_start_1:
0x0: {  	(tag) =	ssettag $0x1  }
0x1: {  	s4 =	rddreg [dreg:$0x0];
	s1 =	srdreg.scid  }
0x2: {  	s0 =	stileid.u32;
	s9 =	rddreg [dreg:$0x1];
	s2 =	simm.s32 $0x0  }
0x3: {  	s15 =	simm.s32 $0x400;
	s16 =	simm.s32 $0x2;
	s17 =	simm.s32 $0xCC00  }
0x4: {  	s18 =	simm.s32 $0x3;
	s19 =	simm.s32 $0x5;
	s20 =	simm.s32 $0x4  }
0x5: {  	s21 =	simm.s32 $0x6;
	s22 =	simm.s32 $0x0;
	s12 =	smul.u32 $0xC800, s0  }
0x6: {  	s8 =	sand.u32 $0x1, s1;
	s1 =	rddreg [dreg:$0x2];
	s14 =	smul.u32 $0xC8000, s0  }
0x7: {  	s3 =	sshll.u32 s0, $0x1;
	[smem:$0x7FF] =	sst s2;
	s13 =	smul.u32 $0x6400, s8  }
0x8: {  	s11 =	sadd.s32 $0x187000, s4;
	s5 =	sor.u32 s8, s3;
	s30 =	smul.u32 $0x64000, s8  }
0x9: {  	_ =	strace $0x80000047;
	s7 =	ssub.s32 $0x2, s8;
	s6 =	smul.u32 $0x6400, s5  }
0xa: {  	s3 =	sadd.s32 $0x600, s4;
	s10 =	smul.u32 $0x64000, s5;
	s28 =	sshrl.u32 s7, $0x1  }
0xb: {  	s29 =	ssub.s32 s7, s28;
	s12 =	sadd.s32 s13, s12;
	s26 =	sshrl.u32 s6, $0x3  }
0xc: {  	s6 =	smax.u32 s29, $0x1;
	s10 =	sadd.s32 s9, s10;
	s31 =	sadd.s32 $0x4B0, s12  }
0xd: {  	s9 =	sadd.s32 s14, s9;
	s12 =	sor.u32 $0x320, s12;
	s14 =	simm.s32 $0x190  }
0xe: {  	s4 =	sadd.s32 s11, s26;
	s7 =	sadd.s32 $0x60E00, s10;
	s8 =	sadd.s32 $0x62700, s10  }
0xf: {  	s10 =	sshrl.u32 s31, $0x3;
	s13 =	sadd.s32 s30, s9;
	s12 =	sshrl.u32 s12, $0x3  }
0x10: {  	s5 =	sadd.s32 $0x32, s4;
	s9 =	sadd.s32 s10, s11;
	s10 =	sadd.s32 $0x1900, s13  }
0x11: {  	s11 =	sadd.s32 s12, s11;
	s12 =	simm.s32 $0x200;
	s13 =	simm.s32 $0x1  }
.LBB2_1:
0x12: {  	[tilespmem:s2], [sflag:$0x1] =	stream.linear.gather [hbm4b:s4+s2], $0x190, $0x38;
	[tilespmem:$0x19400] =	vst v63  }
0x13: {  	_ = 	snop  }
0x14: {  	[tilespmem:s12], [sflag:$0x2] =	stream.linear.gather [hbm4b:s5+s2], $0x190, $0x38;
	[tilespmem:$0x19400] =	vst v63  }
0x15: {  	_ =	swait.ge [sflag:s13], $0x190  }
0x16: {  	[sflag:s13] =	ssyncset.done $0x0  }
0x17: {  	[sflag:s13] =	ssyncadd.s32 $0xFFFFFE70  }
0x18: {  	[tilespmem:s15], [sflag:$0x3] =	stream.indirect.gather [hbm4b:s3+s14], $0x80, s2, s14, $0xb8;
	[tilespmem:$0x19400] =	vst v63  }
0x19: {  	_ =	swait.ge [sflag:s16], $0x190  }
0x1a: {  	[sflag:s16] =	ssyncset.done $0x0  }
0x1b: {  	[sflag:s16] =	ssyncadd.s32 $0xFFFFFE70  }
0x1c: {  	[tilespmem:s17], [sflag:$0x4] =	stream.indirect.gather [hbm4b:s3+s14], $0x80, s12, s14, $0xb8;
	[tilespmem:$0x19400] =	vst v63  }
0x1d: {  	_ =	swait.ge [sflag:s18], $0xC800  }
0x1e: {  	[sflag:s18] =	ssyncset.done $0x0  }
0x1f: {  	s23 =	sadd.s32 $0xFFFFE700, s10;
	[sflag:s18] =	ssyncadd.s32 $0xFFFF3800  }
0x20: {  	[hbm4b:s23+s2] =	stream.linear.scatter [tilespmem:s15], [sflag:$0x5], $0xC800, $0x38;
	[tilespmem:$0x19400] =	vst v63  }
0x21: {  	s30 =	sadd.s32 $0x0, s11  }
0x22: {  	[tilespmem:s2], [sflag:$0x1] =	stream.linear.gather [hbm4b:s30+s2], $0x190, $0x38;
	[tilespmem:$0x19400] =	vst v63  }
0x23: {  	_ =	swait.ge [sflag:s19], $0xC800  }
0x24: {  	[sflag:s19] =	ssyncset.done $0x0  }
0x25: {  	[sflag:s19] =	ssyncadd.s32 $0xFFFF3800  }
0x26: {  	_ =	swait.ge [sflag:s13], $0x190  }
0x27: {  	[sflag:s13] =	ssyncset.done $0x0  }
0x28: {  	[sflag:s13] =	ssyncadd.s32 $0xFFFFFE70  }
0x29: {  	[tilespmem:s15], [sflag:$0x3] =	stream.indirect.gather [hbm4b:s3+s14], $0x80, s2, s14, $0xb8;
	[tilespmem:$0x19400] =	vst v63  }
0x2a: {  	_ =	swait.ge [sflag:s20], $0xC800  }
0x2b: {  	[sflag:s20] =	ssyncset.done $0x0  }
0x2c: {  	[sflag:s20] =	ssyncadd.s32 $0xFFFF3800  }
0x2d: {  	[hbm4b:s10+s2] =	stream.linear.scatter [tilespmem:s17], [sflag:$0x6], $0xC800, $0x38;
	[tilespmem:$0x19400] =	vst v63  }
0x2e: {  	s31 =	sadd.s32 $0x0, s9  }
0x2f: {  	[tilespmem:s12], [sflag:$0x2] =	stream.linear.gather [hbm4b:s31+s2], $0x190, $0x38;
	[tilespmem:$0x19400] =	vst v63  }
0x30: {  	_ =	swait.ge [sflag:s21], $0xC800  }
0x31: {  	[sflag:s21] =	ssyncset.done $0x0  }
0x32: {  	[sflag:s21] =	ssyncadd.s32 $0xFFFF3800  }
0x33: {  	_ =	swait.ge [sflag:s16], $0x190  }
0x34: {  	[sflag:s16] =	ssyncset.done $0x0  }
0x35: {  	s24 =	sadd.s32 $0x3200, s10;
	s23 =	simm.s32 $0x64;
	[sflag:s16] =	ssyncadd.s32 $0xFFFFFE70  }
.LBB2_2:
0x36: {  	[tilespmem:s17], [sflag:$0x4] =	stream.indirect.gather [hbm4b:s3+s14], $0x80, s12, s14, $0xb8;
	[tilespmem:$0x19400] =	vst v63  }
0x37: {  	s25 =	smov.u32 s23  }
0x38: {  	p0 =	sne.s32 s23, $0xBB8;
	s23 =	sadd.s32 $0x64, s23;
	_ =	swait.ge [sflag:s18], $0xC800  }
0x39: {  	[sflag:s18] =	ssyncset.done $0x0  }
0x3a: {  	s26 =	sadd.s32 $0xFFFFE700, s24;
	[sflag:s18] =	ssyncadd.s32 $0xFFFF3800  }
0x3b: {  	[hbm4b:s26+s2] =	stream.linear.scatter [tilespmem:s15], [sflag:$0x5], $0xC800, $0x38;
	[tilespmem:$0x19400] =	vst v63  }
0x3c: {  	s26 =	sadd.s32 s25, s11  }
0x3d: {  	[tilespmem:s2], [sflag:$0x1] =	stream.linear.gather [hbm4b:s26+s2], $0x190, $0x38;
	[tilespmem:$0x19400] =	vst v63  }
0x3e: {  	_ =	swait.ge [sflag:s19], $0xC800  }
0x3f: {  	[sflag:s19] =	ssyncset.done $0x0  }
0x40: {  	[sflag:s19] =	ssyncadd.s32 $0xFFFF3800  }
0x41: {  	_ =	swait.ge [sflag:s13], $0x190  }
0x42: {  	[sflag:s13] =	ssyncset.done $0x0  }
0x43: {  	[sflag:s13] =	ssyncadd.s32 $0xFFFFFE70  }
0x44: {  	[tilespmem:s15], [sflag:$0x3] =	stream.indirect.gather [hbm4b:s3+s14], $0x80, s2, s14, $0xb8;
	[tilespmem:$0x19400] =	vst v63  }
0x45: {  	_ =	swait.ge [sflag:s20], $0xC800  }
0x46: {  	[sflag:s20] =	ssyncset.done $0x0  }
0x47: {  	[sflag:s20] =	ssyncadd.s32 $0xFFFF3800  }
0x48: {  	[hbm4b:s24+s2] =	stream.linear.scatter [tilespmem:s17], [sflag:$0x6], $0xC800, $0x38;
	[tilespmem:$0x19400] =	vst v63  }
0x49: {  	s25 =	sadd.s32 s25, s9  }
0x4a: {  	[tilespmem:s12], [sflag:$0x2] =	stream.linear.gather [hbm4b:s25+s2], $0x190, $0x38;
	[tilespmem:$0x19400] =	vst v63  }
0x4b: {  	_ =	swait.ge [sflag:s21], $0xC800  }
.Ltmp0:
0x4c: {  	[sflag:s21] =	ssyncset.done $0x0;
	(pc) =	sbr.rel @p0 .LBB2_2-.Ltmp0, $4  }
0x4d: {  	[sflag:s21] =	ssyncadd.s32 $0xFFFF3800  }
0x4e: {  	_ =	swait.ge [sflag:s16], $0x190  }
0x4f: {  	[sflag:s16] =	ssyncset.done $0x0  }
0x50: {  	s24 =	sadd.s32 $0x3200, s24;
	[sflag:s16] =	ssyncadd.s32 $0xFFFFFE70  }
0x51: {  	[tilespmem:s17], [sflag:$0x4] =	stream.indirect.gather [hbm4b:s3+s14], $0x80, s12, s14, $0xb8;
	[tilespmem:$0x19400] =	vst v63  }
0x52: {  	_ =	swait.ge [sflag:s18], $0xC800  }
0x53: {  	[sflag:s18] =	ssyncset.done $0x0  }
0x54: {  	[sflag:s18] =	ssyncadd.s32 $0xFFFF3800  }
0x55: {  	[hbm4b:s7+s2] =	stream.linear.scatter [tilespmem:s15], [sflag:$0x5], $0xC800, $0x38;
	[tilespmem:$0x19400] =	vst v63  }
0x56: {  	_ =	swait.ge [sflag:s19], $0xC800  }
0x57: {  	[sflag:s19] =	ssyncset.done $0x0  }
0x58: {  	[sflag:s19] =	ssyncadd.s32 $0xFFFF3800  }
0x59: {  	s22 =	sadd.s32 $0x1, s22;
	_ =	swait.ge [sflag:s20], $0xC800  }
0x5a: {  	p0 =	sne.s32 s22, s6;
	[sflag:s20] =	ssyncset.done $0x0  }
.Ltmp1:
0x5b: {  	[sflag:s20] =	ssyncadd.s32 $0xFFFF3800;
	(pc) =	sbr.rel @p0 .LBB2_1-.Ltmp1, $4  }
0x5c: {  	[hbm4b:s8+s2] =	stream.linear.scatter [tilespmem:s17], [sflag:$0x6], $0xC800, $0x38;
	[tilespmem:$0x19400] =	vst v63  }
0x5d: {  	_ =	swait.ge [sflag:s21], $0xC800  }
0x5e: {  	[sflag:s21] =	ssyncset.done $0x0  }
0x5f: {  	[sflag:s21] =	ssyncadd.s32 $0xFFFF3800  }
0x60: {  	_ =	sfence.sel $0x180000  }
0x61: {  	[bflag:$0x0] =	sbarrier.arrive $0xFFFF  }
0x62: {  	p0 =	sne.s32 s0, $0x0;
	_ =	strace $0x90000047  }
0x63: {  	s0 =	sadd.s32 @!p0 $0x100000, s1;
	[bflag:$0x2] =	sbarrier.arrive $0xFFFF  }
0x64: {  	[sflag:s0] =	ssyncadd.tile.s32 @!p0 $0x1;
	_ =	shalt  }
.Lfunc_end2:
_tile_overlayer_lowered:
.L_overlay_start_2:
0x65: {  	(tag) =	ssettag $0x2  }
0x66: {  	s0 =	rddreg [dreg:$0x0];
	s2 =	stileid.u32  }
0x67: {  	s1 =	rddreg [dreg:$0x1];
	p0 =	sne.s32 s2, $0x0  }
0x68: {  	s3 =	rddreg [dreg:$0x2];
	[bflag:$0x3] =	sbarrier.arrive $0xFFFF;
	s2 =	simm.s32 @!p0 $0x1C07  }
0x69: {  	[timem:s3], [sflag:s2] =	dma.local @!p0 [hbm:s0], s1  }
0x6a: {  	s0 =	simm.s32 @!p0 $0x7  }
0x6b: {  	_ =	swait.ge @!p0 [sflag:s0], s1  }
0x6c: {  	s1 =	ssub.s32 @!p0 $0x0, s1;
	[sflag:s0] =	ssyncset.done @!p0 $0x0  }
0x6d: {  	[sflag:s0] =	ssyncadd.s32 @!p0 s1  }
0x6e: {  	[bflag:$0x3] =	sbarrier.arrive $0xFFFF  }
0x6f: {  	_ =	shalt  }

</sc_bundles>
